<compile_context>
chip_gen: v7x
topology: tpu7x:2x2x1
jax: 0.10.2.dev20260603
libtpu: 0.0.44.dev20260713+nightly
codegen_flags: <defaults>
</compile_context>

<pallas_src>
import functools

import jax
import jax.numpy as jnp
from jax import lax
from jax.experimental import pallas as pl
from jax.experimental.pallas import tpu as pltpu
from jax.experimental.pallas import tpu_sc as plsc

N = 100000
D = 128
M = 50000
NC = 2
NS = 16
NW = NC * NS

NP = 100096
UPD_W = 3128
SEG = NP // NS

ROWS_W = 3128
ROWS_LAST = N - (NW - 1) * ROWS_W
CHUNK = 184
NCH = ROWS_W // CHUNK
TAIL = ROWS_LAST - (NCH - 1) * CHUNK
NBUF = 3
NSLOT = ((NCH + NBUF - 1) // NBUF) * NBUF

_mesh = plsc.VectorSubcoreMesh(core_axis_name="c", subcore_axis_name="s")


@functools.partial(
    pl.kernel,
    out_type=jax.ShapeDtypeStruct((N, D), jnp.float32),
    mesh=_mesh,
    scratch_types=[
        pltpu.VMEM((UPD_W,), jnp.int32),
        pltpu.VMEM((UPD_W,), jnp.int32),
        pltpu.VMEM((UPD_W,), jnp.int32),
        pltpu.VMEM((SEG,), jnp.int32),
        pltpu.VMEM_SHARED((NP,), jnp.int32),
        [pltpu.VMEM((CHUNK,), jnp.int32) for _ in range(NBUF)],
        [pltpu.VMEM((CHUNK, D), jnp.float32) for _ in range(NBUF)],
        [pltpu.SemaphoreType.DMA for _ in range(NBUF)],
        [pltpu.SemaphoreType.DMA for _ in range(NBUF)],
        pltpu.VMEM((TAIL,), jnp.int32),
        pltpu.VMEM((TAIL, D), jnp.float32),
        pltpu.SemaphoreType.DMA,
    ],
)
def _shuffle(idx_hbm, perm_hbm, x_hbm, out_hbm,
             upos_v, perm_v, usrc_v, iota_v, src_sh, idxs, bufs, gsem, wsem,
             idx_t, rows_t, sem):
    s_id = lax.axis_index("s")
    w = s_id * NC + lax.axis_index("c")

    seg_base = s_id * SEG

    @pl.loop(0, SEG // 16)
    def _(i):
        iota_v[pl.ds(i * 16, 16)] = lax.iota(jnp.int32, 16) + (
            seg_base + i * 16)

    pltpu.sync_copy(iota_v, src_sh.at[pl.ds(seg_base, SEG)])

    ubase = jnp.minimum(s_id * UPD_W, M - UPD_W)
    pltpu.sync_copy(idx_hbm.at[pl.ds(ubase, UPD_W)], upos_v)
    pltpu.sync_copy(perm_hbm.at[pl.ds(ubase, UPD_W)], perm_v)
    pltpu.async_copy(idx_hbm.at[perm_v], usrc_v, sem).wait()
    plsc.subcore_barrier()

    pltpu.sync_copy(usrc_v, src_sh.at[upos_v])
    plsc.subcore_barrier()

    base = w * ROWS_W
    nfull = jnp.where(w == NW - 1, NCH - 1, NCH)

    @pl.loop(0, NSLOT, step=NBUF)
    def _(c0):
        for b in range(NBUF):
            c = c0 + b

            @pl.when(jnp.logical_and(c >= NBUF, c < nfull))
            def _(b=b):
                pltpu.make_async_copy(
                    bufs[b], out_hbm.at[pl.ds(base, CHUNK)], wsem[b]).wait()

            @pl.when(c < nfull)
            def _(b=b, c=c):
                pltpu.sync_copy(src_sh.at[pl.ds(base + c * CHUNK, CHUNK)],
                                idxs[b])
                pltpu.async_copy(x_hbm.at[idxs[b]], bufs[b], gsem[b])

            b1 = (b - 1) % NBUF

            @pl.when(jnp.logical_and(c >= 1, c - 1 < nfull))
            def _(b1=b1, c=c):
                pltpu.make_async_copy(
                    x_hbm.at[idxs[b1]], bufs[b1], gsem[b1]).wait()
                pltpu.async_copy(
                    bufs[b1],
                    out_hbm.at[pl.ds(base + (c - 1) * CHUNK, CHUNK)],
                    wsem[b1])

    for b in range(NBUF):
        pltpu.make_async_copy(
            bufs[b], out_hbm.at[pl.ds(base, CHUNK)], wsem[b]).wait()

    @pl.when(w == NW - 1)
    def _():
        off = base + (NCH - 1) * CHUNK
        pltpu.sync_copy(src_sh.at[pl.ds(off, TAIL)], idx_t)
        pltpu.async_copy(x_hbm.at[idx_t], rows_t, sem).wait()
        pltpu.sync_copy(rows_t, out_hbm.at[pl.ds(off, TAIL)])


def kernel(x, indices, shuffle_perm):
    idx = indices.astype(jnp.int32)
    perm = shuffle_perm.astype(jnp.int32)
    return _shuffle(idx, perm, x)

# --- scband reference (transcript-rebuilt; emitter-appended) ---
"""Pipeline reference for scband-feature-shuffling-65300682768446 (READ-ONLY COPY).

The authoritative reference and input builder live on the scoring server;
editing this copy changes nothing except your own understanding.
"""

import jax, jax.numpy as jnp
import numpy as np

N = 100000
D = 128
RATIO = 0.5
M = int(N * RATIO)  # 50000

def setup_inputs(seed: int = 0) -> dict:
    key = jax.random.key(seed)
    k1, k2, k3 = jax.random.split(key, 3)
    x = jax.random.normal(k1, (N, D), dtype=jnp.float32)
    # indices must be a unique subset (torch.randperm(N)[:M]); use permutation
    # to avoid duplicate-index scatter ambiguity (spec fill=randint approximates this).
    indices = jax.random.permutation(k2, N)[:M].astype(jnp.int64)
    shuffle_perm = jax.random.permutation(k3, M).astype(jnp.int64)
    return {"x": x, "indices": indices, "shuffle_perm": shuffle_perm}

def reference(x, indices, shuffle_perm):
    # data.x[indices] = data.x[indices[shuffle_perm]].clone()
    shuffled_indices = indices[shuffle_perm]
    gathered = jnp.take(x, shuffled_indices, axis=0)
    out = x.at[indices].set(gathered)
    return out

if __name__ == "__main__":
    import jax
    _d = setup_inputs()
    print(jax.jit(kernel)(*tuple(_d.values())))

</pallas_src>

<mosaic_0001>
#map = affine_map<(d0, d1) -> (0)>
#map1 = affine_map<(d0, d1) -> (0, 0)>
module attributes {stable_mosaic.version = 14 : i64} {
  func.func @_shuffle(%arg0: i32, %arg1: i32, %arg2: memref<50000xi32, #tpu.memory_space<hbm>>, %arg3: memref<50000xi32, #tpu.memory_space<hbm>>, %arg4: memref<100000x128xf32, #tpu.memory_space<hbm>>, %arg5: memref<100000x128xf32, #tpu.memory_space<hbm>>, %arg6: memref<3128xi32, #tpu.memory_space<vmem>>, %arg7: memref<3128xi32, #tpu.memory_space<vmem>>, %arg8: memref<3128xi32, #tpu.memory_space<vmem>>, %arg9: memref<6256xi32, #tpu.memory_space<vmem>>, %arg10: memref<100096xi32, #tpu.memory_space<vmem_shared>>, %arg11: memref<184xi32, #tpu.memory_space<vmem>>, %arg12: memref<184xi32, #tpu.memory_space<vmem>>, %arg13: memref<184xi32, #tpu.memory_space<vmem>>, %arg14: memref<184x128xf32, #tpu.memory_space<vmem>>, %arg15: memref<184x128xf32, #tpu.memory_space<vmem>>, %arg16: memref<184x128xf32, #tpu.memory_space<vmem>>, %arg17: memref<!tpu.dma_semaphore, #tpu.memory_space<semaphore_mem>>, %arg18: memref<!tpu.dma_semaphore, #tpu.memory_space<semaphore_mem>>, %arg19: memref<!tpu.dma_semaphore, #tpu.memory_space<semaphore_mem>>, %arg20: memref<!tpu.dma_semaphore, #tpu.memory_space<semaphore_mem>>, %arg21: memref<!tpu.dma_semaphore, #tpu.memory_space<semaphore_mem>>, %arg22: memref<!tpu.dma_semaphore, #tpu.memory_space<semaphore_mem>>, %arg23: memref<88xi32, #tpu.memory_space<vmem>>, %arg24: memref<88x128xf32, #tpu.memory_space<vmem>>, %arg25: memref<!tpu.dma_semaphore, #tpu.memory_space<semaphore_mem>>) attributes {dimension_semantics = [#tpu.dimension_semantics<core_parallel>, #tpu.dimension_semantics<subcore_parallel>], iteration_bounds = array<i64: 2, 16>, scalar_prefetch = 0 : i64, scratch_operands = 20 : i64, tpu.core_type = #tpu.core_type<sc_vector_subcore>, window_params = [{transform_indices = #map}, {transform_indices = #map}, {transform_indices = #map1}, {transform_indices = #map1}]} {
    %mul3A = arith.constant 2 : i32
    %mul3A_0 = arith.muli %arg1, %mul3A : i32
    %add3A = arith.addi %mul3A_0, %arg0 : i32
    %mul3A_1 = arith.constant 6256 : i32
    %mul3A_2 = arith.muli %arg1, %mul3A_1 : i32
    %scan3A = arith.constant 0 : i32
    %scan3A_3 = arith.constant 391 : i32
    %scan3A_4 = arith.addi %scan3A, %scan3A_3 : i32
    %scan3A_5 = arith.constant 1 : i32
    scf.for %scan3A_37 = %scan3A to %scan3A_4 step %scan3A_5  : i32 {
      %mul3A_38 = arith.constant 1 : i32
      %mul3A_39 = arith.muli %scan3A_37, %mul3A_38 : i32
      %add3A_40 = arith.constant 0 : i32
      %add3A_41 = arith.addi %add3A_40, %mul3A_39 : i32
      %iota3A = tpu.iota {dimensions = array<i32: 0>} : vector<16xi32>
      %mul3A_42 = arith.constant 16 : i32
      %mul3A_43 = arith.muli %add3A_41, %mul3A_42 : i32
      %add3A_44 = arith.addi %mul3A_2, %mul3A_43 : i32
      %add3A_45 = vector.broadcast %add3A_44 : i32 to vector<16xi32>
      %add3A_46 = arith.addi %iota3A, %add3A_45 : vector<16xi32>
      %mul3A_47 = arith.constant 16 : i32
      %mul3A_48 = arith.muli %add3A_41, %mul3A_47 : i32
      %swap3A = arith.index_cast %mul3A_48 : i32 to index
      %swap3A_49 = tpu.vector_load %arg9[%swap3A] {strides = array<i32>} : memref<6256xi32, #tpu.memory_space<vmem>>, vector<16xi32>,
      %swap3A_50 = vector.shape_cast %swap3A_49 : vector<16xi32> to vector<16xi32>
      %swap3A_51 = vector.shape_cast %add3A_46 : vector<16xi32> to vector<16xi32>
      tpu.vector_store %arg9[%swap3A], %swap3A_51 {strides = array<i32>} : memref<6256xi32, #tpu.memory_space<vmem>>, vector<16xi32>,
    }
    %scan3A_6 = arith.constant 391 : i32
    "tpu.region"() ({
      %run_scoped3A = tpu.sem_alloc : memref<!tpu.dma_semaphore, #tpu.memory_space<semaphore_mem>>
      %dma_start3A_37 = tpu.memref_slice %arg10[%mul3A_2] : memref<100096xi32, #tpu.memory_space<vmem_shared>> -> memref<6256xi32, #tpu.memory_space<vmem_shared>>
      %dma_start3A_38 = tpu.memref_slice %arg10[%mul3A_2] : memref<100096xi32, #tpu.memory_space<vmem_shared>> -> memref<6256xi32, #tpu.memory_space<vmem_shared>>
      tpu.enqueue_dma source(%arg9 : memref<6256xi32, #tpu.memory_space<vmem>>) target(%dma_start3A_38 : memref<6256xi32, #tpu.memory_space<vmem_shared>>) target_semaphore(%run_scoped3A : memref<!tpu.dma_semaphore, #tpu.memory_space<semaphore_mem>>)
      %dma_wait3A_39 = tpu.memref_slice %arg10[%mul3A_2] : memref<100096xi32, #tpu.memory_space<vmem_shared>> -> memref<6256xi32, #tpu.memory_space<vmem_shared>>
      %dma_wait3A_40 = tpu.memref_slice %arg10[%mul3A_2] : memref<100096xi32, #tpu.memory_space<vmem_shared>> -> memref<6256xi32, #tpu.memory_space<vmem_shared>>
      tpu.wait_dma2 semaphore(%run_scoped3A : memref<!tpu.dma_semaphore, #tpu.memory_space<semaphore_mem>>) src(%arg9 : memref<6256xi32, #tpu.memory_space<vmem>>) dst(%dma_wait3A_40 : memref<6256xi32, #tpu.memory_space<vmem_shared>>)
      tpu.yield
    }) : () -> ()
    %mul3A_7 = arith.constant 3128 : i32
    %mul3A_8 = arith.muli %arg1, %mul3A_7 : i32
    %min3A = arith.constant 46872 : i32
    %min3A_9 = arith.minsi %mul3A_8, %min3A : i32
    "tpu.region"() ({
      %run_scoped3A = tpu.sem_alloc : memref<!tpu.dma_semaphore, #tpu.memory_space<semaphore_mem>>
      %dma_start3A_37 = tpu.memref_slice %arg2[%min3A_9] : memref<50000xi32, #tpu.memory_space<hbm>> -> memref<3128xi32, #tpu.memory_space<hbm>>
      %dma_start3A_38 = tpu.memref_slice %arg2[%min3A_9] : memref<50000xi32, #tpu.memory_space<hbm>> -> memref<3128xi32, #tpu.memory_space<hbm>>
      tpu.enqueue_dma source(%dma_start3A_38 : memref<3128xi32, #tpu.memory_space<hbm>>) target(%arg6 : memref<3128xi32, #tpu.memory_space<vmem>>) target_semaphore(%run_scoped3A : memref<!tpu.dma_semaphore, #tpu.memory_space<semaphore_mem>>)
      %dma_wait3A_39 = tpu.memref_slice %arg2[%min3A_9] : memref<50000xi32, #tpu.memory_space<hbm>> -> memref<3128xi32, #tpu.memory_space<hbm>>
      %dma_wait3A_40 = tpu.memref_slice %arg2[%min3A_9] : memref<50000xi32, #tpu.memory_space<hbm>> -> memref<3128xi32, #tpu.memory_space<hbm>>
      tpu.wait_dma2 semaphore(%run_scoped3A : memref<!tpu.dma_semaphore, #tpu.memory_space<semaphore_mem>>) src(%dma_wait3A_40 : memref<3128xi32, #tpu.memory_space<hbm>>) dst(%arg6 : memref<3128xi32, #tpu.memory_space<vmem>>)
      tpu.yield
    }) : () -> ()
    "tpu.region"() ({
      %run_scoped3A = tpu.sem_alloc : memref<!tpu.dma_semaphore, #tpu.memory_space<semaphore_mem>>
      %dma_start3A_37 = tpu.memref_slice %arg3[%min3A_9] : memref<50000xi32, #tpu.memory_space<hbm>> -> memref<3128xi32, #tpu.memory_space<hbm>>
      %dma_start3A_38 = tpu.memref_slice %arg3[%min3A_9] : memref<50000xi32, #tpu.memory_space<hbm>> -> memref<3128xi32, #tpu.memory_space<hbm>>
      tpu.enqueue_dma source(%dma_start3A_38 : memref<3128xi32, #tpu.memory_space<hbm>>) target(%arg7 : memref<3128xi32, #tpu.memory_space<vmem>>) target_semaphore(%run_scoped3A : memref<!tpu.dma_semaphore, #tpu.memory_space<semaphore_mem>>)
      %dma_wait3A_39 = tpu.memref_slice %arg3[%min3A_9] : memref<50000xi32, #tpu.memory_space<hbm>> -> memref<3128xi32, #tpu.memory_space<hbm>>
      %dma_wait3A_40 = tpu.memref_slice %arg3[%min3A_9] : memref<50000xi32, #tpu.memory_space<hbm>> -> memref<3128xi32, #tpu.memory_space<hbm>>
      tpu.wait_dma2 semaphore(%run_scoped3A : memref<!tpu.dma_semaphore, #tpu.memory_space<semaphore_mem>>) src(%dma_wait3A_40 : memref<3128xi32, #tpu.memory_space<hbm>>) dst(%arg7 : memref<3128xi32, #tpu.memory_space<vmem>>)
      tpu.yield
    }) : () -> ()
    %dma_start3A = arith.constant 0 : i32
    %dma_start3A_10 = tpu.memref_slice %arg2[%dma_start3A] : memref<50000xi32, #tpu.memory_space<hbm>> -> memref<50000xi32, #tpu.memory_space<hbm>>
    tpu.enqueue_indirect_dma source(%dma_start3A_10 : memref<50000xi32, #tpu.memory_space<hbm>>) target(%arg8 : memref<3128xi32, #tpu.memory_space<vmem>>) offsets(%arg7 : memref<3128xi32, #tpu.memory_space<vmem>>) semaphore(%arg25 : memref<!tpu.dma_semaphore, #tpu.memory_space<semaphore_mem>>)
    %dma_wait3A = arith.constant 0 : i32
    %dma_wait3A_11 = tpu.memref_slice %arg2[%dma_wait3A] : memref<50000xi32, #tpu.memory_space<hbm>> -> memref<50000xi32, #tpu.memory_space<hbm>>
    tpu.wait_indirect_dma semaphore(%arg25 : memref<!tpu.dma_semaphore, #tpu.memory_space<semaphore_mem>>) src(%dma_wait3A_11 : memref<50000xi32, #tpu.memory_space<hbm>>) dst(%arg8 : memref<3128xi32, #tpu.memory_space<vmem>>)
    %barrier3A = arith.constant 0 : index
    tpu.barrier barrier_id(%barrier3A)
    "tpu.region"() ({
      %run_scoped3A = tpu.sem_alloc : memref<!tpu.dma_semaphore, #tpu.memory_space<semaphore_mem>>
      %dma_start3A_37 = arith.constant 0 : i32
      %dma_start3A_38 = tpu.memref_slice %arg10[%dma_start3A_37] : memref<100096xi32, #tpu.memory_space<vmem_shared>> -> memref<100096xi32, #tpu.memory_space<vmem_shared>>
      tpu.enqueue_indirect_dma source(%arg8 : memref<3128xi32, #tpu.memory_space<vmem>>) target(%dma_start3A_38 : memref<100096xi32, #tpu.memory_space<vmem_shared>>) offsets(%arg6 : memref<3128xi32, #tpu.memory_space<vmem>>) semaphore(%run_scoped3A : memref<!tpu.dma_semaphore, #tpu.memory_space<semaphore_mem>>)
      %dma_wait3A_39 = arith.constant 0 : i32
      %dma_wait3A_40 = tpu.memref_slice %arg10[%dma_wait3A_39] : memref<100096xi32, #tpu.memory_space<vmem_shared>> -> memref<100096xi32, #tpu.memory_space<vmem_shared>>
      tpu.wait_indirect_dma semaphore(%run_scoped3A : memref<!tpu.dma_semaphore, #tpu.memory_space<semaphore_mem>>) src(%arg8 : memref<3128xi32, #tpu.memory_space<vmem>>) dst(%dma_wait3A_40 : memref<100096xi32, #tpu.memory_space<vmem_shared>>)
      tpu.yield
    }) : () -> ()
    %barrier3A_12 = arith.constant 0 : index
    tpu.barrier barrier_id(%barrier3A_12)
    %mul3A_13 = arith.constant 3128 : i32
    %mul3A_14 = arith.muli %add3A, %mul3A_13 : i32
    %eq3A = arith.constant 31 : i32
    %eq3A_15 = arith.cmpi eq, %add3A, %eq3A : i32
    %jit3A = arith.constant 16 : i32
    %jit3A_16 = arith.constant 17 : i32
    %select_n3A = arith.select %eq3A_15, %jit3A, %jit3A_16 : i32
    %scan3A_17 = arith.constant 0 : i32
    %scan3A_18 = arith.constant 6 : i32
    %scan3A_19 = arith.addi %scan3A_17, %scan3A_18 : i32
    %scan3A_20 = arith.constant 1 : i32
    scf.for %scan3A_37 = %scan3A_17 to %scan3A_19 step %scan3A_20  : i32 {
      %mul3A_38 = arith.constant 3 : i32
      %mul3A_39 = arith.muli %scan3A_37, %mul3A_38 : i32
      %add3A_40 = arith.constant 0 : i32
      %add3A_41 = arith.addi %add3A_40, %mul3A_39 : i32
      %add3A_42 = arith.constant 0 : i32
      %add3A_43 = arith.addi %add3A_41, %add3A_42 : i32
      %ge3A = arith.constant 3 : i32
      %ge3A_44 = arith.cmpi sge, %add3A_43, %ge3A : i32
      %lt3A = arith.cmpi slt, %add3A_43, %select_n3A : i32
      %and3A = arith.andi %ge3A_44, %lt3A : i1
      %convert_element_type3A_45 = arith.extui %and3A : i1 to i32
      %cond3A_46 = arith.constant 0 : i32
      %cond3A_47 = arith.cmpi ne, %convert_element_type3A_45, %cond3A_46 : i32
      scf.if %cond3A_47 {
        %dma_wait3A_104 = arith.constant 0 : i32
        %dma_wait3A_105 = tpu.memref_slice %arg5[%mul3A_14, %dma_wait3A_104] : memref<100000x128xf32, #tpu.memory_space<hbm>> -> memref<184x128xf32, #tpu.memory_space<hbm>>
        %dma_wait3A_106 = arith.constant 0 : i32
        %dma_wait3A_107 = tpu.memref_slice %arg5[%mul3A_14, %dma_wait3A_106] : memref<100000x128xf32, #tpu.memory_space<hbm>> -> memref<184x128xf32, #tpu.memory_space<hbm>>
        tpu.wait_dma2 semaphore(%arg20 : memref<!tpu.dma_semaphore, #tpu.memory_space<semaphore_mem>>) src(%arg14 : memref<184x128xf32, #tpu.memory_space<vmem>>) dst(%dma_wait3A_107 : memref<184x128xf32, #tpu.memory_space<hbm>>)
      } else {
      }
      %lt3A_48 = arith.cmpi slt, %add3A_43, %select_n3A : i32
      %convert_element_type3A_49 = arith.extui %lt3A_48 : i1 to i32
      %cond3A_50 = arith.constant 0 : i32
      %cond3A_51 = arith.cmpi ne, %convert_element_type3A_49, %cond3A_50 : i32
      scf.if %cond3A_51 {
        %mul3A_104 = arith.constant 184 : i32
        %mul3A_105 = arith.muli %add3A_43, %mul3A_104 : i32
        %add3A_106 = arith.addi %mul3A_14, %mul3A_105 : i32
        "tpu.region"() ({
          %run_scoped3A = tpu.sem_alloc : memref<!tpu.dma_semaphore, #tpu.memory_space<semaphore_mem>>
          %dma_start3A_110 = tpu.memref_slice %arg10[%add3A_106] : memref<100096xi32, #tpu.memory_space<vmem_shared>> -> memref<184xi32, #tpu.memory_space<vmem_shared>>
          %dma_start3A_111 = tpu.memref_slice %arg10[%add3A_106] : memref<100096xi32, #tpu.memory_space<vmem_shared>> -> memref<184xi32, #tpu.memory_space<vmem_shared>>
          tpu.enqueue_dma source(%dma_start3A_111 : memref<184xi32, #tpu.memory_space<vmem_shared>>) target(%arg11 : memref<184xi32, #tpu.memory_space<vmem>>) target_semaphore(%run_scoped3A : memref<!tpu.dma_semaphore, #tpu.memory_space<semaphore_mem>>)
          %dma_wait3A_112 = tpu.memref_slice %arg10[%add3A_106] : memref<100096xi32, #tpu.memory_space<vmem_shared>> -> memref<184xi32, #tpu.memory_space<vmem_shared>>
          %dma_wait3A_113 = tpu.memref_slice %arg10[%add3A_106] : memref<100096xi32, #tpu.memory_space<vmem_shared>> -> memref<184xi32, #tpu.memory_space<vmem_shared>>
          tpu.wait_dma2 semaphore(%run_scoped3A : memref<!tpu.dma_semaphore, #tpu.memory_space<semaphore_mem>>) src(%dma_wait3A_113 : memref<184xi32, #tpu.memory_space<vmem_shared>>) dst(%arg11 : memref<184xi32, #tpu.memory_space<vmem>>)
          tpu.yield
        }) : () -> ()
        %dma_start3A_107 = arith.constant 0 : i32
        %dma_start3A_108 = arith.constant 0 : i32
        %dma_start3A_109 = tpu.memref_slice %arg4[%dma_start3A_107, %dma_start3A_108] : memref<100000x128xf32, #tpu.memory_space<hbm>> -> memref<100000x128xf32, #tpu.memory_space<hbm>>
        tpu.enqueue_indirect_dma source(%dma_start3A_109 : memref<100000x128xf32, #tpu.memory_space<hbm>>) target(%arg14 : memref<184x128xf32, #tpu.memory_space<vmem>>) offsets(%arg11 : memref<184xi32, #tpu.memory_space<vmem>>) semaphore(%arg17 : memref<!tpu.dma_semaphore, #tpu.memory_space<semaphore_mem>>)
      } else {
      }
      %ge3A_52 = arith.constant 1 : i32
      %ge3A_53 = arith.cmpi sge, %add3A_43, %ge3A_52 : i32
      %sub3A = arith.constant 1 : i32
      %sub3A_54 = arith.subi %add3A_43, %sub3A : i32
      %lt3A_55 = arith.cmpi slt, %sub3A_54, %select_n3A : i32
      %and3A_56 = arith.andi %ge3A_53, %lt3A_55 : i1
      %convert_element_type3A_57 = arith.extui %and3A_56 : i1 to i32
      %cond3A_58 = arith.constant 0 : i32
      %cond3A_59 = arith.cmpi ne, %convert_element_type3A_57, %cond3A_58 : i32
      scf.if %cond3A_59 {
        %dma_wait3A_104 = arith.constant 0 : i32
        %dma_wait3A_105 = arith.constant 0 : i32
        %dma_wait3A_106 = tpu.memref_slice %arg4[%dma_wait3A_104, %dma_wait3A_105] : memref<100000x128xf32, #tpu.memory_space<hbm>> -> memref<100000x128xf32, #tpu.memory_space<hbm>>
        tpu.wait_indirect_dma semaphore(%arg19 : memref<!tpu.dma_semaphore, #tpu.memory_space<semaphore_mem>>) src(%dma_wait3A_106 : memref<100000x128xf32, #tpu.memory_space<hbm>>) dst(%arg16 : memref<184x128xf32, #tpu.memory_space<vmem>>)
        %sub3A_107 = arith.constant 1 : i32
        %sub3A_108 = arith.subi %add3A_43, %sub3A_107 : i32
        %mul3A_109 = arith.constant 184 : i32
        %mul3A_110 = arith.muli %sub3A_108, %mul3A_109 : i32
        %add3A_111 = arith.addi %mul3A_14, %mul3A_110 : i32
        %dma_start3A_112 = arith.constant 0 : i32
        %dma_start3A_113 = tpu.memref_slice %arg5[%add3A_111, %dma_start3A_112] : memref<100000x128xf32, #tpu.memory_space<hbm>> -> memref<184x128xf32, #tpu.memory_space<hbm>>
        %dma_start3A_114 = arith.constant 0 : i32
        %dma_start3A_115 = tpu.memref_slice %arg5[%add3A_111, %dma_start3A_114] : memref<100000x128xf32, #tpu.memory_space<hbm>> -> memref<184x128xf32, #tpu.memory_space<hbm>>
        tpu.enqueue_dma source(%arg16 : memref<184x128xf32, #tpu.memory_space<vmem>>) target(%dma_start3A_115 : memref<184x128xf32, #tpu.memory_space<hbm>>) target_semaphore(%arg22 : memref<!tpu.dma_semaphore, #tpu.memory_space<semaphore_mem>>)
      } else {
      }
      %add3A_60 = arith.constant 1 : i32
      %add3A_61 = arith.addi %add3A_41, %add3A_60 : i32
      %ge3A_62 = arith.constant 3 : i32
      %ge3A_63 = arith.cmpi sge, %add3A_61, %ge3A_62 : i32
      %lt3A_64 = arith.cmpi slt, %add3A_61, %select_n3A : i32
      %and3A_65 = arith.andi %ge3A_63, %lt3A_64 : i1
      %convert_element_type3A_66 = arith.extui %and3A_65 : i1 to i32
      %cond3A_67 = arith.constant 0 : i32
      %cond3A_68 = arith.cmpi ne, %convert_element_type3A_66, %cond3A_67 : i32
      scf.if %cond3A_68 {
        %dma_wait3A_104 = arith.constant 0 : i32
        %dma_wait3A_105 = tpu.memref_slice %arg5[%mul3A_14, %dma_wait3A_104] : memref<100000x128xf32, #tpu.memory_space<hbm>> -> memref<184x128xf32, #tpu.memory_space<hbm>>
        %dma_wait3A_106 = arith.constant 0 : i32
        %dma_wait3A_107 = tpu.memref_slice %arg5[%mul3A_14, %dma_wait3A_106] : memref<100000x128xf32, #tpu.memory_space<hbm>> -> memref<184x128xf32, #tpu.memory_space<hbm>>
        tpu.wait_dma2 semaphore(%arg21 : memref<!tpu.dma_semaphore, #tpu.memory_space<semaphore_mem>>) src(%arg15 : memref<184x128xf32, #tpu.memory_space<vmem>>) dst(%dma_wait3A_107 : memref<184x128xf32, #tpu.memory_space<hbm>>)
      } else {
      }
      %lt3A_69 = arith.cmpi slt, %add3A_61, %select_n3A : i32
      %convert_element_type3A_70 = arith.extui %lt3A_69 : i1 to i32
      %cond3A_71 = arith.constant 0 : i32
      %cond3A_72 = arith.cmpi ne, %convert_element_type3A_70, %cond3A_71 : i32
      scf.if %cond3A_72 {
        %mul3A_104 = arith.constant 184 : i32
        %mul3A_105 = arith.muli %add3A_61, %mul3A_104 : i32
        %add3A_106 = arith.addi %mul3A_14, %mul3A_105 : i32
        "tpu.region"() ({
          %run_scoped3A = tpu.sem_alloc : memref<!tpu.dma_semaphore, #tpu.memory_space<semaphore_mem>>
          %dma_start3A_110 = tpu.memref_slice %arg10[%add3A_106] : memref<100096xi32, #tpu.memory_space<vmem_shared>> -> memref<184xi32, #tpu.memory_space<vmem_shared>>
          %dma_start3A_111 = tpu.memref_slice %arg10[%add3A_106] : memref<100096xi32, #tpu.memory_space<vmem_shared>> -> memref<184xi32, #tpu.memory_space<vmem_shared>>
          tpu.enqueue_dma source(%dma_start3A_111 : memref<184xi32, #tpu.memory_space<vmem_shared>>) target(%arg12 : memref<184xi32, #tpu.memory_space<vmem>>) target_semaphore(%run_scoped3A : memref<!tpu.dma_semaphore, #tpu.memory_space<semaphore_mem>>)
          %dma_wait3A_112 = tpu.memref_slice %arg10[%add3A_106] : memref<100096xi32, #tpu.memory_space<vmem_shared>> -> memref<184xi32, #tpu.memory_space<vmem_shared>>
          %dma_wait3A_113 = tpu.memref_slice %arg10[%add3A_106] : memref<100096xi32, #tpu.memory_space<vmem_shared>> -> memref<184xi32, #tpu.memory_space<vmem_shared>>
          tpu.wait_dma2 semaphore(%run_scoped3A : memref<!tpu.dma_semaphore, #tpu.memory_space<semaphore_mem>>) src(%dma_wait3A_113 : memref<184xi32, #tpu.memory_space<vmem_shared>>) dst(%arg12 : memref<184xi32, #tpu.memory_space<vmem>>)
          tpu.yield
        }) : () -> ()
        %dma_start3A_107 = arith.constant 0 : i32
        %dma_start3A_108 = arith.constant 0 : i32
        %dma_start3A_109 = tpu.memref_slice %arg4[%dma_start3A_107, %dma_start3A_108] : memref<100000x128xf32, #tpu.memory_space<hbm>> -> memref<100000x128xf32, #tpu.memory_space<hbm>>
        tpu.enqueue_indirect_dma source(%dma_start3A_109 : memref<100000x128xf32, #tpu.memory_space<hbm>>) target(%arg15 : memref<184x128xf32, #tpu.memory_space<vmem>>) offsets(%arg12 : memref<184xi32, #tpu.memory_space<vmem>>) semaphore(%arg18 : memref<!tpu.dma_semaphore, #tpu.memory_space<semaphore_mem>>)
      } else {
      }
      %ge3A_73 = arith.constant 1 : i32
      %ge3A_74 = arith.cmpi sge, %add3A_61, %ge3A_73 : i32
      %sub3A_75 = arith.constant 1 : i32
      %sub3A_76 = arith.subi %add3A_61, %sub3A_75 : i32
      %lt3A_77 = arith.cmpi slt, %sub3A_76, %select_n3A : i32
      %and3A_78 = arith.andi %ge3A_74, %lt3A_77 : i1
      %convert_element_type3A_79 = arith.extui %and3A_78 : i1 to i32
      %cond3A_80 = arith.constant 0 : i32
      %cond3A_81 = arith.cmpi ne, %convert_element_type3A_79, %cond3A_80 : i32
      scf.if %cond3A_81 {
        %dma_wait3A_104 = arith.constant 0 : i32
        %dma_wait3A_105 = arith.constant 0 : i32
        %dma_wait3A_106 = tpu.memref_slice %arg4[%dma_wait3A_104, %dma_wait3A_105] : memref<100000x128xf32, #tpu.memory_space<hbm>> -> memref<100000x128xf32, #tpu.memory_space<hbm>>
        tpu.wait_indirect_dma semaphore(%arg17 : memref<!tpu.dma_semaphore, #tpu.memory_space<semaphore_mem>>) src(%dma_wait3A_106 : memref<100000x128xf32, #tpu.memory_space<hbm>>) dst(%arg14 : memref<184x128xf32, #tpu.memory_space<vmem>>)
        %sub3A_107 = arith.constant 1 : i32
        %sub3A_108 = arith.subi %add3A_61, %sub3A_107 : i32
        %mul3A_109 = arith.constant 184 : i32
        %mul3A_110 = arith.muli %sub3A_108, %mul3A_109 : i32
        %add3A_111 = arith.addi %mul3A_14, %mul3A_110 : i32
        %dma_start3A_112 = arith.constant 0 : i32
        %dma_start3A_113 = tpu.memref_slice %arg5[%add3A_111, %dma_start3A_112] : memref<100000x128xf32, #tpu.memory_space<hbm>> -> memref<184x128xf32, #tpu.memory_space<hbm>>
        %dma_start3A_114 = arith.constant 0 : i32
        %dma_start3A_115 = tpu.memref_slice %arg5[%add3A_111, %dma_start3A_114] : memref<100000x128xf32, #tpu.memory_space<hbm>> -> memref<184x128xf32, #tpu.memory_space<hbm>>
        tpu.enqueue_dma source(%arg14 : memref<184x128xf32, #tpu.memory_space<vmem>>) target(%dma_start3A_115 : memref<184x128xf32, #tpu.memory_space<hbm>>) target_semaphore(%arg20 : memref<!tpu.dma_semaphore, #tpu.memory_space<semaphore_mem>>)
      } else {
      }
      %add3A_82 = arith.constant 2 : i32
      %add3A_83 = arith.addi %add3A_41, %add3A_82 : i32
      %ge3A_84 = arith.constant 3 : i32
      %ge3A_85 = arith.cmpi sge, %add3A_83, %ge3A_84 : i32
      %lt3A_86 = arith.cmpi slt, %add3A_83, %select_n3A : i32
      %and3A_87 = arith.andi %ge3A_85, %lt3A_86 : i1
      %convert_element_type3A_88 = arith.extui %and3A_87 : i1 to i32
      %cond3A_89 = arith.constant 0 : i32
      %cond3A_90 = arith.cmpi ne, %convert_element_type3A_88, %cond3A_89 : i32
      scf.if %cond3A_90 {
        %dma_wait3A_104 = arith.constant 0 : i32
        %dma_wait3A_105 = tpu.memref_slice %arg5[%mul3A_14, %dma_wait3A_104] : memref<100000x128xf32, #tpu.memory_space<hbm>> -> memref<184x128xf32, #tpu.memory_space<hbm>>
        %dma_wait3A_106 = arith.constant 0 : i32
        %dma_wait3A_107 = tpu.memref_slice %arg5[%mul3A_14, %dma_wait3A_106] : memref<100000x128xf32, #tpu.memory_space<hbm>> -> memref<184x128xf32, #tpu.memory_space<hbm>>
        tpu.wait_dma2 semaphore(%arg22 : memref<!tpu.dma_semaphore, #tpu.memory_space<semaphore_mem>>) src(%arg16 : memref<184x128xf32, #tpu.memory_space<vmem>>) dst(%dma_wait3A_107 : memref<184x128xf32, #tpu.memory_space<hbm>>)
      } else {
      }
      %lt3A_91 = arith.cmpi slt, %add3A_83, %select_n3A : i32
      %convert_element_type3A_92 = arith.extui %lt3A_91 : i1 to i32
      %cond3A_93 = arith.constant 0 : i32
      %cond3A_94 = arith.cmpi ne, %convert_element_type3A_92, %cond3A_93 : i32
      scf.if %cond3A_94 {
        %mul3A_104 = arith.constant 184 : i32
        %mul3A_105 = arith.muli %add3A_83, %mul3A_104 : i32
        %add3A_106 = arith.addi %mul3A_14, %mul3A_105 : i32
        "tpu.region"() ({
          %run_scoped3A = tpu.sem_alloc : memref<!tpu.dma_semaphore, #tpu.memory_space<semaphore_mem>>
          %dma_start3A_110 = tpu.memref_slice %arg10[%add3A_106] : memref<100096xi32, #tpu.memory_space<vmem_shared>> -> memref<184xi32, #tpu.memory_space<vmem_shared>>
          %dma_start3A_111 = tpu.memref_slice %arg10[%add3A_106] : memref<100096xi32, #tpu.memory_space<vmem_shared>> -> memref<184xi32, #tpu.memory_space<vmem_shared>>
          tpu.enqueue_dma source(%dma_start3A_111 : memref<184xi32, #tpu.memory_space<vmem_shared>>) target(%arg13 : memref<184xi32, #tpu.memory_space<vmem>>) target_semaphore(%run_scoped3A : memref<!tpu.dma_semaphore, #tpu.memory_space<semaphore_mem>>)
          %dma_wait3A_112 = tpu.memref_slice %arg10[%add3A_106] : memref<100096xi32, #tpu.memory_space<vmem_shared>> -> memref<184xi32, #tpu.memory_space<vmem_shared>>
          %dma_wait3A_113 = tpu.memref_slice %arg10[%add3A_106] : memref<100096xi32, #tpu.memory_space<vmem_shared>> -> memref<184xi32, #tpu.memory_space<vmem_shared>>
          tpu.wait_dma2 semaphore(%run_scoped3A : memref<!tpu.dma_semaphore, #tpu.memory_space<semaphore_mem>>) src(%dma_wait3A_113 : memref<184xi32, #tpu.memory_space<vmem_shared>>) dst(%arg13 : memref<184xi32, #tpu.memory_space<vmem>>)
          tpu.yield
        }) : () -> ()
        %dma_start3A_107 = arith.constant 0 : i32
        %dma_start3A_108 = arith.constant 0 : i32
        %dma_start3A_109 = tpu.memref_slice %arg4[%dma_start3A_107, %dma_start3A_108] : memref<100000x128xf32, #tpu.memory_space<hbm>> -> memref<100000x128xf32, #tpu.memory_space<hbm>>
        tpu.enqueue_indirect_dma source(%dma_start3A_109 : memref<100000x128xf32, #tpu.memory_space<hbm>>) target(%arg16 : memref<184x128xf32, #tpu.memory_space<vmem>>) offsets(%arg13 : memref<184xi32, #tpu.memory_space<vmem>>) semaphore(%arg19 : memref<!tpu.dma_semaphore, #tpu.memory_space<semaphore_mem>>)
      } else {
      }
      %ge3A_95 = arith.constant 1 : i32
      %ge3A_96 = arith.cmpi sge, %add3A_83, %ge3A_95 : i32
      %sub3A_97 = arith.constant 1 : i32
      %sub3A_98 = arith.subi %add3A_83, %sub3A_97 : i32
      %lt3A_99 = arith.cmpi slt, %sub3A_98, %select_n3A : i32
      %and3A_100 = arith.andi %ge3A_96, %lt3A_99 : i1
      %convert_element_type3A_101 = arith.extui %and3A_100 : i1 to i32
      %cond3A_102 = arith.constant 0 : i32
      %cond3A_103 = arith.cmpi ne, %convert_element_type3A_101, %cond3A_102 : i32
      scf.if %cond3A_103 {
        %dma_wait3A_104 = arith.constant 0 : i32
        %dma_wait3A_105 = arith.constant 0 : i32
        %dma_wait3A_106 = tpu.memref_slice %arg4[%dma_wait3A_104, %dma_wait3A_105] : memref<100000x128xf32, #tpu.memory_space<hbm>> -> memref<100000x128xf32, #tpu.memory_space<hbm>>
        tpu.wait_indirect_dma semaphore(%arg18 : memref<!tpu.dma_semaphore, #tpu.memory_space<semaphore_mem>>) src(%dma_wait3A_106 : memref<100000x128xf32, #tpu.memory_space<hbm>>) dst(%arg15 : memref<184x128xf32, #tpu.memory_space<vmem>>)
        %sub3A_107 = arith.constant 1 : i32
        %sub3A_108 = arith.subi %add3A_83, %sub3A_107 : i32
        %mul3A_109 = arith.constant 184 : i32
        %mul3A_110 = arith.muli %sub3A_108, %mul3A_109 : i32
        %add3A_111 = arith.addi %mul3A_14, %mul3A_110 : i32
        %dma_start3A_112 = arith.constant 0 : i32
        %dma_start3A_113 = tpu.memref_slice %arg5[%add3A_111, %dma_start3A_112] : memref<100000x128xf32, #tpu.memory_space<hbm>> -> memref<184x128xf32, #tpu.memory_space<hbm>>
        %dma_start3A_114 = arith.constant 0 : i32
        %dma_start3A_115 = tpu.memref_slice %arg5[%add3A_111, %dma_start3A_114] : memref<100000x128xf32, #tpu.memory_space<hbm>> -> memref<184x128xf32, #tpu.memory_space<hbm>>
        tpu.enqueue_dma source(%arg15 : memref<184x128xf32, #tpu.memory_space<vmem>>) target(%dma_start3A_115 : memref<184x128xf32, #tpu.memory_space<hbm>>) target_semaphore(%arg21 : memref<!tpu.dma_semaphore, #tpu.memory_space<semaphore_mem>>)
      } else {
      }
    }
    %scan3A_21 = arith.constant 6 : i32
    %dma_wait3A_22 = arith.constant 0 : i32
    %dma_wait3A_23 = tpu.memref_slice %arg5[%mul3A_14, %dma_wait3A_22] : memref<100000x128xf32, #tpu.memory_space<hbm>> -> memref<184x128xf32, #tpu.memory_space<hbm>>
    %dma_wait3A_24 = arith.constant 0 : i32
    %dma_wait3A_25 = tpu.memref_slice %arg5[%mul3A_14, %dma_wait3A_24] : memref<100000x128xf32, #tpu.memory_space<hbm>> -> memref<184x128xf32, #tpu.memory_space<hbm>>
    tpu.wait_dma2 semaphore(%arg20 : memref<!tpu.dma_semaphore, #tpu.memory_space<semaphore_mem>>) src(%arg14 : memref<184x128xf32, #tpu.memory_space<vmem>>) dst(%dma_wait3A_25 : memref<184x128xf32, #tpu.memory_space<hbm>>)
    %dma_wait3A_26 = arith.constant 0 : i32
    %dma_wait3A_27 = tpu.memref_slice %arg5[%mul3A_14, %dma_wait3A_26] : memref<100000x128xf32, #tpu.memory_space<hbm>> -> memref<184x128xf32, #tpu.memory_space<hbm>>
    %dma_wait3A_28 = arith.constant 0 : i32
    %dma_wait3A_29 = tpu.memref_slice %arg5[%mul3A_14, %dma_wait3A_28] : memref<100000x128xf32, #tpu.memory_space<hbm>> -> memref<184x128xf32, #tpu.memory_space<hbm>>
    tpu.wait_dma2 semaphore(%arg21 : memref<!tpu.dma_semaphore, #tpu.memory_space<semaphore_mem>>) src(%arg15 : memref<184x128xf32, #tpu.memory_space<vmem>>) dst(%dma_wait3A_29 : memref<184x128xf32, #tpu.memory_space<hbm>>)
    %dma_wait3A_30 = arith.constant 0 : i32
    %dma_wait3A_31 = tpu.memref_slice %arg5[%mul3A_14, %dma_wait3A_30] : memref<100000x128xf32, #tpu.memory_space<hbm>> -> memref<184x128xf32, #tpu.memory_space<hbm>>
    %dma_wait3A_32 = arith.constant 0 : i32
    %dma_wait3A_33 = tpu.memref_slice %arg5[%mul3A_14, %dma_wait3A_32] : memref<100000x128xf32, #tpu.memory_space<hbm>> -> memref<184x128xf32, #tpu.memory_space<hbm>>
    tpu.wait_dma2 semaphore(%arg22 : memref<!tpu.dma_semaphore, #tpu.memory_space<semaphore_mem>>) src(%arg16 : memref<184x128xf32, #tpu.memory_space<vmem>>) dst(%dma_wait3A_33 : memref<184x128xf32, #tpu.memory_space<hbm>>)
    %eq3A_34 = arith.constant 31 : i32
    %eq3A_35 = arith.cmpi eq, %add3A, %eq3A_34 : i32
    %convert_element_type3A = arith.extui %eq3A_35 : i1 to i32
    %cond3A = arith.constant 0 : i32
    %cond3A_36 = arith.cmpi ne, %convert_element_type3A, %cond3A : i32
    scf.if %cond3A_36 {
      %add3A_37 = arith.constant 2944 : i32
      %add3A_38 = arith.addi %mul3A_14, %add3A_37 : i32
      "tpu.region"() ({
        %run_scoped3A = tpu.sem_alloc : memref<!tpu.dma_semaphore, #tpu.memory_space<semaphore_mem>>
        %dma_start3A_45 = tpu.memref_slice %arg10[%add3A_38] : memref<100096xi32, #tpu.memory_space<vmem_shared>> -> memref<88xi32, #tpu.memory_space<vmem_shared>>
        %dma_start3A_46 = tpu.memref_slice %arg10[%add3A_38] : memref<100096xi32, #tpu.memory_space<vmem_shared>> -> memref<88xi32, #tpu.memory_space<vmem_shared>>
        tpu.enqueue_dma source(%dma_start3A_46 : memref<88xi32, #tpu.memory_space<vmem_shared>>) target(%arg23 : memref<88xi32, #tpu.memory_space<vmem>>) target_semaphore(%run_scoped3A : memref<!tpu.dma_semaphore, #tpu.memory_space<semaphore_mem>>)
        %dma_wait3A_47 = tpu.memref_slice %arg10[%add3A_38] : memref<100096xi32, #tpu.memory_space<vmem_shared>> -> memref<88xi32, #tpu.memory_space<vmem_shared>>
        %dma_wait3A_48 = tpu.memref_slice %arg10[%add3A_38] : memref<100096xi32, #tpu.memory_space<vmem_shared>> -> memref<88xi32, #tpu.memory_space<vmem_shared>>
        tpu.wait_dma2 semaphore(%run_scoped3A : memref<!tpu.dma_semaphore, #tpu.memory_space<semaphore_mem>>) src(%dma_wait3A_48 : memref<88xi32, #tpu.memory_space<vmem_shared>>) dst(%arg23 : memref<88xi32, #tpu.memory_space<vmem>>)
        tpu.yield
      }) : () -> ()
      %dma_start3A_39 = arith.constant 0 : i32
      %dma_start3A_40 = arith.constant 0 : i32
      %dma_start3A_41 = tpu.memref_slice %arg4[%dma_start3A_39, %dma_start3A_40] : memref<100000x128xf32, #tpu.memory_space<hbm>> -> memref<100000x128xf32, #tpu.memory_space<hbm>>
      tpu.enqueue_indirect_dma source(%dma_start3A_41 : memref<100000x128xf32, #tpu.memory_space<hbm>>) target(%arg24 : memref<88x128xf32, #tpu.memory_space<vmem>>) offsets(%arg23 : memref<88xi32, #tpu.memory_space<vmem>>) semaphore(%arg25 : memref<!tpu.dma_semaphore, #tpu.memory_space<semaphore_mem>>)
      %dma_wait3A_42 = arith.constant 0 : i32
      %dma_wait3A_43 = arith.constant 0 : i32
      %dma_wait3A_44 = tpu.memref_slice %arg4[%dma_wait3A_42, %dma_wait3A_43] : memref<100000x128xf32, #tpu.memory_space<hbm>> -> memref<100000x128xf32, #tpu.memory_space<hbm>>
      tpu.wait_indirect_dma semaphore(%arg25 : memref<!tpu.dma_semaphore, #tpu.memory_space<semaphore_mem>>) src(%dma_wait3A_44 : memref<100000x128xf32, #tpu.memory_space<hbm>>) dst(%arg24 : memref<88x128xf32, #tpu.memory_space<vmem>>)
      "tpu.region"() ({
        %run_scoped3A = tpu.sem_alloc : memref<!tpu.dma_semaphore, #tpu.memory_space<semaphore_mem>>
        %dma_start3A_45 = arith.constant 0 : i32
        %dma_start3A_46 = tpu.memref_slice %arg5[%add3A_38, %dma_start3A_45] : memref<100000x128xf32, #tpu.memory_space<hbm>> -> memref<88x128xf32, #tpu.memory_space<hbm>>
        %dma_start3A_47 = arith.constant 0 : i32
        %dma_start3A_48 = tpu.memref_slice %arg5[%add3A_38, %dma_start3A_47] : memref<100000x128xf32, #tpu.memory_space<hbm>> -> memref<88x128xf32, #tpu.memory_space<hbm>>
        tpu.enqueue_dma source(%arg24 : memref<88x128xf32, #tpu.memory_space<vmem>>) target(%dma_start3A_48 : memref<88x128xf32, #tpu.memory_space<hbm>>) target_semaphore(%run_scoped3A : memref<!tpu.dma_semaphore, #tpu.memory_space<semaphore_mem>>)
        %dma_wait3A_49 = arith.constant 0 : i32
        %dma_wait3A_50 = tpu.memref_slice %arg5[%add3A_38, %dma_wait3A_49] : memref<100000x128xf32, #tpu.memory_space<hbm>> -> memref<88x128xf32, #tpu.memory_space<hbm>>
        %dma_wait3A_51 = arith.constant 0 : i32
        %dma_wait3A_52 = tpu.memref_slice %arg5[%add3A_38, %dma_wait3A_51] : memref<100000x128xf32, #tpu.memory_space<hbm>> -> memref<88x128xf32, #tpu.memory_space<hbm>>
        tpu.wait_dma2 semaphore(%run_scoped3A : memref<!tpu.dma_semaphore, #tpu.memory_space<semaphore_mem>>) src(%arg24 : memref<88x128xf32, #tpu.memory_space<vmem>>) dst(%dma_wait3A_52 : memref<88x128xf32, #tpu.memory_space<hbm>>)
        tpu.yield
      }) : () -> ()
    } else {
    }
    return
  }
}

</mosaic_0001>

<sc_bundles>
// kernel: kernel.3.cloned.1.call-start
scs
__scs_entry_jumppad:
0x0: {  	(pc) =	sbr.rel $0x88, $3  }
0x1: {  	(tag) =	ssettag $0x0;
	lr =	simm.s32 $0x1  }
0x2: {  	[smem:$0x3F9E] =	sst lr;
	_ =	strace $0xD0000000  }
0x3: {  	_ = 	snop  }
0x4: {  	_ = 	snop  }
0x5: {  	_ = 	snop  }
0x6: {  	_ = 	snop  }
0x7: {  	_ = 	snop  }
__scs_overlays_trampoline_lowered:
0x8: {  	[smem:$0x3FAD] =	sst s0  }
0x9: {  	[smem:$0x3FAE] =	sst s1  }
0xa: {  	[smem:$0x3FAF] =	sst s2  }
0xb: {  	[smem:$0x3FB0] =	sst s3  }
0xc: {  	[smem:$0x3FB1] =	sst s4  }
0xd: {  	[smem:$0x3FB2] =	sst s5  }
0xe: {  	[smem:$0x3FB3] =	sst s6  }
0xf: {  	[smem:$0x3FB4] =	sst s7  }
0x10: {  	[smem:$0x3FB5] =	sst s8  }
0x11: {  	[smem:$0x3FB6] =	sst s9;
	s0 =	simm.s32 @!p0 $0x0  }
0x12: {  	s1 =	sld [smem:$0x3F9C];
	s0 =	simm.s32 @p0 $0x1  }
0x13: {  	[smem:$0x3FB7] =	sst s0;
	s0 =	simm.s32 @!p1 $0x0  }
0x14: {  	s2 =	sld [smem:$0x3F9B];
	s0 =	simm.s32 @p1 $0x1  }
0x15: {  	[smem:$0x3FB8] =	sst s0;
	s0 =	simm.s32 @!p2 $0x0  }
0x16: {  	s3 =	sld [smem:$0x3FDB];
	s0 =	simm.s32 @p2 $0x1  }
0x17: {  	s4 =	simm.s32 $0x1BF5;
	[smem:$0x3FBA] =	sst s0  }
0x18: {  	s0 =	sld [smem:$0x3F9D];
	_ =	swait.ge [sflag:s4], $0x0  }
0x19: {  	s7 =	sld [smem:$0x3F9E]  }
0x1a: {  	s8 =	sadd.s32 $0xFFFFE003, lr  }
0x1b: {  	s9 =	sadd.s32 $0xFFFFFEF7, lr;
	s5 =	simm.s32 $0xFFFFFFFF;
	p2 =	slt.u32 s8, $0xFFFFF086  }
0x1c: {  	p1 =	slt.u32 s9, $0xF7A;
	s5 =	simm.s32 @!p2 $0x0  }
0x1d: {  	s5 =	simm.s32 @p1 $0x1;
	p0 =	seq.s32 s7, s2  }
0x1e: {  	s7 =	smul.u32 @!p0 $0xF7A, s2;
	p2 =	seq.s32 @!p0 s5, $0x0  }
0x1f: {  	s9 =	smul.u32 $0xF7A, s1;
	s8 =	simm.s32 @!p0 $0x1BF5;
	p2 =	por !p2, p0  }
0x20: {  	[sflag:s8] =	ssyncset.s32 @!p0 $0xFFFFF086;
	s6 =	sadd.s32 @!p0 s3, s7;
	s7 =	simm.s32 @!p0 $0x108  }
0x21: {  	s3 =	sadd.s32 s3, s9;
	s6 =	sadd.s32 @!p0 $0x88, s6;
	s7 =	simm.s32 @p2 $0x1082  }
0x22: {  	[simem:s7], [sflag:s8] =	dma.local @!p0 [hbm:s6], $0xF7A  }
0x23: {  	s9 =	sor.u32 $0xD0000000, s2;
	s6 =	simm.s32 $0x108;
	_ =	swait.ge @!p0 [sflag:s8], $0x0  }
0x24: {  	s3 =	sadd.s32 $0x88, s3;
	s6 =	simm.s32 @!p1 $0x1082;
	[sflag:s4] =	ssyncset.s32 $0xFFFFF086  }
0x25: {  	[simem:s6], [sflag:s4] =	dma.local [hbm:s3], $0xF7A  }
0x26: {  	[smem:$0x3F9E] =	sst s1;
	(tag) =	ssettag s2;
	_ =	strace s9  }
0x27: {  	s1 =	sld [smem:$0x3FAE]  }
0x28: {  	s2 =	sld [smem:$0x3FAF]  }
0x29: {  	s4 =	sld [smem:$0x3FB1]  }
0x2a: {  	p0 =	seq.s32 s5, $0x0;
	s5 =	sld [smem:$0x3FB2]  }
0x2b: {  	s6 =	sld [smem:$0x3FB3]  }
0x2c: {  	s7 =	sld [smem:$0x3FB4]  }
0x2d: {  	s3 =	simm.s32 $0x108;
	s8 =	sld [smem:$0x3FB5]  }
0x2e: {  	s3 =	simm.s32 @!p0 $0x1082;
	s9 =	sld [smem:$0x3FB6]  }
0x2f: {  	lr =	sadd.s32 s0, s3;
	s0 =	sld [smem:$0x3FAD]  }
0x30: {  	s3 =	sld [smem:$0x3FB0]  }
0x31: {  	[smem:$0x3FB9] =	sst s10  }
0x32: {  	s10 =	sld [smem:$0x3FB7];
	_ =	sdelay $0x3  }
0x33: {  	p0 =	seq.s32 s10, $0x1;
	s10 =	sld [smem:$0x3FB9];
	_ =	sdelay $0x3  }
0x34: {  	[smem:$0x3FB9] =	sst s10  }
0x35: {  	s10 =	sld [smem:$0x3FB8];
	_ =	sdelay $0x3  }
0x36: {  	p1 =	seq.s32 s10, $0x1;
	s10 =	sld [smem:$0x3FB9];
	_ =	sdelay $0x3  }
0x37: {  	[smem:$0x3FB9] =	sst s10  }
0x38: {  	s10 =	sld [smem:$0x3FBA]  }
0x39: {  	_ = 	snop;
	(pc) =	sbr.ind lr, $3  }
0x3a: {  	_ = 	snop  }
0x3b: {  	_ = 	snop  }
0x3c: {  	p2 =	seq.s32 s10, $0x1;
	s10 =	sld [smem:$0x3FB9]  }
0x3d: {  	_ =	shalt  }
0x3e: {  	_ =	shalt  }
0x3f: {  	_ =	shalt  }
0x40: {  	_ =	shalt  }
0x41: {  	_ =	shalt  }
0x42: {  	_ =	shalt  }
0x43: {  	_ =	shalt  }
0x44: {  	_ =	shalt  }
0x45: {  	_ =	shalt  }
0x46: {  	_ =	shalt  }
0x47: {  	_ =	shalt  }
0x48: {  	_ =	shalt  }
0x49: {  	_ =	shalt  }
0x4a: {  	_ =	shalt  }
0x4b: {  	_ =	shalt  }
0x4c: {  	_ =	shalt  }
0x4d: {  	_ =	shalt  }
0x4e: {  	_ =	shalt  }
0x4f: {  	_ =	shalt  }
0x50: {  	_ =	shalt  }
0x51: {  	_ =	shalt  }
0x52: {  	_ =	shalt  }
0x53: {  	_ =	shalt  }
0x54: {  	_ =	shalt  }
0x55: {  	_ =	shalt  }
0x56: {  	_ =	shalt  }
0x57: {  	_ =	shalt  }
0x58: {  	_ =	shalt  }
0x59: {  	_ =	shalt  }
0x5a: {  	_ =	shalt  }
0x5b: {  	_ =	shalt  }
0x5c: {  	_ =	shalt  }
0x5d: {  	_ =	shalt  }
0x5e: {  	_ =	shalt  }
0x5f: {  	_ =	shalt  }
0x60: {  	_ =	shalt  }
0x61: {  	_ =	shalt  }
0x62: {  	_ =	shalt  }
0x63: {  	_ =	shalt  }
0x64: {  	_ =	shalt  }
0x65: {  	_ =	shalt  }
0x66: {  	_ =	shalt  }
0x67: {  	_ =	shalt  }
0x68: {  	_ =	shalt  }
0x69: {  	_ =	shalt  }
0x6a: {  	_ =	shalt  }
0x6b: {  	_ =	shalt  }
0x6c: {  	_ =	shalt  }
0x6d: {  	_ =	shalt  }
0x6e: {  	_ =	shalt  }
0x6f: {  	_ =	shalt  }
0x70: {  	_ =	shalt  }
0x71: {  	_ =	shalt  }
0x72: {  	_ =	shalt  }
0x73: {  	_ =	shalt  }
0x74: {  	_ =	shalt  }
0x75: {  	_ =	shalt  }
0x76: {  	_ =	shalt  }
0x77: {  	_ =	shalt  }
0x78: {  	_ =	shalt  }
0x79: {  	_ =	shalt  }
0x7a: {  	_ =	shalt  }
0x7b: {  	_ =	shalt  }
0x7c: {  	_ =	shalt  }
0x7d: {  	_ =	shalt  }
0x7e: {  	_ =	shalt  }
0x7f: {  	_ =	shalt  }
0x80: {  	_ =	shalt  }
0x81: {  	_ =	shalt  }
0x82: {  	_ =	shalt  }
0x83: {  	_ =	shalt  }
0x84: {  	_ =	shalt  }
0x85: {  	_ =	shalt  }
0x86: {  	_ =	shalt  }
0x87: {  	_ =	shalt  }
.Lfunc_end0:
.L_simem_size_0:
called_computation_lowered:
.L_overlay_start_0:
0x88: {  	s2 =	sld [smem:$0x3FD9]  }
0x89: {  	s3 =	sld [smem:$0x3FFE];
	_ =	sdelay $0x1  }
0x8a: {  	s1 =	srdreg.scid  }
0x8b: {  	s0 =	sand.u32 $0x1, s1  }
0x8c: {  	s18 =	sshll.u32 s0, $0xA;
	s2 =	sadd.s32 s3, s2  }
0x8d: {  	s2 =	sadd.s32 s2, s18  }
0x8e: {  	[smem:$0x3FC5] =	sst s2  }
0x8f: {  	_ = 	snop  }
0x90: {  	s2 =	sld [smem:$0x3FC9]  }
0x91: {  	s19 =	sld [smem:$0x3FC8]  }
0x92: {  	s4 =	sld [smem:$0x3FC7]  }
0x93: {  	s5 =	sld [smem:$0x3FD0];
	(tm) =	ssettm $0x1  }
0x94: {  	s6 =	sld [smem:$0x3FFB];
	_ =	sdelay $0x3  }
0x95: {  	_ =	strace s6  }
0x96: {  	s6 =	sld [smem:$0x3FFC];
	_ =	sdelay $0x3  }
0x97: {  	_ =	strace s6  }
0x98: {  	s6 =	sld [smem:$0x3FFD];
	_ =	sdelay $0x3  }
0x99: {  	_ =	strace s6  }
0x9a: {  	_ =	strace $0x8FFFFFFF  }
0x9b: {  	s20 =	sld [smem:$0x3FDB];
	_ =	sdelay $0x1  }
0x9c: {  	s7 =	simm.s32 $_scs_section_size  }
0x9d: {  	s8 =	simm.s32 $_size__tile_overlayer_lowered;
	s9 =	simm.s32 $_tile_overlayer_lowered  }
0x9e: {  	s23 =	simm.s32 $0x1BFF;
	s22 =	sshll.u32 s9, $0x1;
	s6 =	sadd.s32 s7, s20  }
0x9f: {  	s10 =	simm.s32 $0x0;
	s21 =	sshll.u32 s8, $0x1;
	s8 =	sadd.s32 s22, s6  }
0xa0: {  	[timem:s10], [sflag:s23] =	dma.local [hbm:s8], s21  }
0xa1: {  	_ =	swait.ge [sflag:s23], s21  }
0xa2: {  	s7 =	ssub.s32 $0x0, s21;
	[sflag:s23] =	ssyncset.done $0x0  }
0xa3: {  	[sflag:s23] =	ssyncadd.s32 s7;
	_ =	sdelay $0x1  }
0xa4: {  	s24 =	simm.s32 $0x1B8B  }
0xa5: {  	_ =	swait.ge [sflag:s24], $0x1  }
0xa6: {  	[sflag:s24] =	ssyncset.done $0x0  }
0xa7: {  	s25 =	simm.s32 $0x1B8E;
	[sflag:s24] =	ssyncadd.s32 $0xFFFFFFFF  }
0xa8: {  	s26 =	simm.s32 $execute0_lowered;
	[smem:$0x3FD2] =	sst s25  }
0xa9: {  	s7 =	sshll.u32 s26, $0x1;
	_ =	strace $0x80000046;
	[dreg:$0x1] =	wrdreg $0xFFFFFFFF  }
0xaa: {  	s28 =	simm.s32 $_size_execute0_lowered;
	s6 =	sadd.s32 s6, s7;
	[dreg:$0x0] =	wrdreg $0x0  }
0xab: {  	s7 =	sshll.u32 s28, $0x1;
	[dreg:$0x2] =	wrdreg s6  }
0xac: {  	[dreg:$0x3] =	wrdreg s7  }
0xad: {  	[dreg:$0x4] =	wrdreg $0xC0  }
0xae: {  	_ =	task [dreg:s10], $0x5FFFF  }
0xaf: {  	[dreg:$0x1] =	wrdreg $0xFFFFFFFF  }
0xb0: {  	[dreg:$0x0] =	wrdreg $0x60  }
0xb1: {  	[dreg:$0x2] =	wrdreg s19  }
0xb2: {  	[dreg:$0x3] =	wrdreg s4  }
0xb3: {  	[dreg:$0x4] =	wrdreg s2  }
0xb4: {  	[dreg:$0x5] =	wrdreg s5  }
0xb5: {  	[dreg:$0x6] =	wrdreg $0x3E000  }
0xb6: {  	[dreg:$0x7] =	wrdreg $0x9  }
0xb7: {  	_ =	task.clear_ibuf [dreg:s10], $0x8FFFF;
	_ =	strace $0x90000046  }
0xb8: {  	s29 =	simm.s32 $0x9;
	_ =	strace $0x80000048  }
0xb9: {  	_ =	swait.ge [sflag:s29], $0x1  }
0xba: {  	[sflag:s29] =	ssyncadd.s32 $0xFFFFFFFF  }
0xbb: {  	_ =	strace $0x90000048  }
0xbc: {  	_ =	sfence  }
0xbd: {  	s30 =	sld [smem:$0x0];
	_ =	sdelay $0x2  }
0xbe: {  	s31 =	sshll.u32 s1, $0xD;
	s1 =	sshrl.u32 s1, $0x2  }
0xbf: {  	s3 =	sand.u32 $0x4000, s31;
	s1 =	sadd.s32 s1, s30  }
0xc0: {  	s0 =	sor.u32 s3, s0;
	s1 =	sshll.u32 s1, $0x11  }
0xc1: {  	s0 =	sor.u32 s1, s0  }
0xc2: {  	s0 =	sadd.s32 $0x8F2B, s0  }
0xc3: {  	[sflag:s0] =	ssyncadd.remote.s32 $0x1  }
0xc4: {  	_ =	sfence.sel $0xFFFF  }
0xc5: {  	[dreg:$0x0] =	wrdreg $0xFFFFFFFF;
	(pc) =	sbr.abs _section_cstart, $3  }
0xc6: {  	[dreg:$0x1] =	wrdreg $0xFFFFFFFF  }
0xc7: {  	_ =	task.clear_ibuf [dreg:s10], $0x2FFFF;
	_ =	strace $0x9FFFFFFF  }
0xc8: {  	(tm) =	ssettm $0x7FFFFFFF  }
0xc9: {  	_ =	shalt  }
tec
execute0_lowered:
.L_overlay_start_1:
0x0: {  	(tag) =	ssettag $0x1  }
0x1: {  	s10 =	rddreg [dreg:$0x0]  }
0x2: {  	s0 =	rddreg [dreg:$0x1]  }
0x3: {  	s2 =	rddreg [dreg:$0x2]  }
0x4: {  	s3 =	rddreg [dreg:$0x3]  }
0x5: {  	s11 =	rddreg [dreg:$0x4];
	s6 =	simm.s32 $0x0  }
0x6: {  	s1 =	srdreg.scid;
	s14 =	stileid.u32;
	s12 =	simm.s32 $0x10  }
0x7: {  	s28 =	simm.s32 $0x5670;
	s29 =	simm.s32 $0xB8;
	s5 =	smul.u32 $0xC38, s14  }
0x8: {  	s30 =	simm.s32 $0x5970;
	s31 =	simm.s32 $0x3;
	s7 =	smul.u32 $0x1870, s14  }
0x9: {  	[smem:$0x7FF] =	sst s6;
	s1 =	sand.u32 $0x1, s1;
	s21 =	smul.u32 $0x61C0, s14  }
0xa: {  	s9 =	sshll.u32 s14, $0x1;
	s23 =	smul.u32 $0x18700, s14;
	s25 =	sadd.s32 $0x186480, s3  }
0xb: {  	_ =	strace $0x80000047;
	s4 =	ssub.s32 $0x2, s1;
	s22 =	smul.u32 $0x30E0, s1  }
0xc: {  	s19 =	sor.u32 s1, s9;
	[dreg:$0xa] =	wrdreg s25;
	s1 =	smul.u32 $0xC380, s1  }
0xd: {  	s25 =	simm.s32 $0x7;
	s8 =	sshrl.u32 s4, $0x1;
	s5 =	smin.u32 s5, $0xB718  }
0xe: {  	s20 =	sadd.s32 s7, s11;
	s9 =	smul.u32 $0xC38, s19;
	p0 =	seq.s32 s19, $0x1F  }
0xf: {  	s26 =	sadd.s32 s23, s3;
	s4 =	ssub.s32 s4, s8;
	[dreg:$0x6] =	wrdreg s20  }
0x10: {  	s5 =	sshrl.u32 s5, $0x3;
	s12 =	simm.s32 @!p0 $0x11;
	s1 =	sadd.s32 s1, s26  }
0x11: {  	p0 =	sne.s32 s19, $0x1F;
	s26 =	simm.s32 $0x4;
	s20 =	simm.s32 $0x1  }
0x12: {  	s8 =	simm.s32 $0x6;
	s10 =	sadd.s32 s10, s5;
	s0 =	sadd.s32 s0, s5  }
0x13: {  	s13 =	sadd.s32 s9, s11;
	s4 =	smax.u32 s4, $0x1;
	s17 =	sadd.s32 $0xFFFFFFFF, s12  }
0x14: {  	s14 =	sadd.s32 $0xFFFFF480, s1;
	s5 =	simm.s32 $0x5;
	[dreg:$0x7] =	wrdreg s10  }
.Ltmp0:
0x15: {  	s1 =	simm.s32 $0x5770;
	[dreg:$0x8] =	wrdreg s0;
	(pc) =	sbr.rel .LBB2_1-.Ltmp0, $4  }
0x16: {  	s24 =	sadd.s32 $0xB80, s13;
	[dreg:$0xb] =	wrdreg s4;
	s0 =	sadd.s32 s22, s21  }
0x17: {  	s21 =	simm.s32 $0x8;
	s4 =	simm.s32 $0xB570;
	s0 =	sshrl.u32 s0, $0x2  }
0x18: {  	s10 =	simm.s32 $0x0;
	[dreg:$0x9] =	wrdreg s24;
	s0 =	sadd.s32 s0, s11  }
0x19: {  	v0 =	vlaneseq.u32;
	s24 =	simm.s32 $0x1900;
	[dreg:$0xc] =	wrdreg s0;
	s0 =	simm.s32 $0x11170  }
.LBB2_9:
0x1a: {  	_ =	swait.ge [sflag:s26], $0x5C00  }
0x1b: {  	[sflag:s26] =	ssyncset.done $0x0  }
0x1c: {  	[sflag:s26] =	ssyncadd.s32 $0xFFFFA400  }
0x1d: {  	_ =	swait.ge [sflag:s5], $0x5C00  }
0x1e: {  	[sflag:s5] =	ssyncset.done $0x0  }
0x1f: {  	[sflag:s5] =	ssyncadd.s32 $0xFFFFA400  }
0x20: {  	_ =	swait.ge [sflag:s8], $0x5C00  }
0x21: {  	[sflag:s8] =	ssyncset.done $0x0  }
0x22: {  	s11 =	simm.s32 @!p0 $0x16D70;
	s15 =	rddreg [dreg:$0x9];
	[sflag:s8] =	ssyncadd.s32 $0xFFFFA400  }
0x23: {  	[tilespmem:s11], [sflag:$0x8] =	stream.linear.gather @!p0 [spmem:s15], $0x58, $0x38;
	[tilespmem:$0x199F0] =	vst v63  }
0x24: {  	s15 =	simm.s32 @!p0 $0x8  }
0x25: {  	_ =	swait.ge @!p0 [sflag:s15], $0x58  }
0x26: {  	[sflag:s15] =	ssyncset.done @!p0 $0x0  }
0x27: {  	s16 =	simm.s32 @!p0 $0x58;
	s18 =	simm.s32 @!p0 $0x16DF0;
	[sflag:s15] =	ssyncadd.s32 @!p0 $0xFFFFFFA8  }
0x28: {  	[tilespmem:s18], [sflag:$0x7] =	stream.indirect.gather @!p0 [hbm4b:s2+s16], $0x80, s11, s16, $0xb8;
	[tilespmem:$0x199F0] =	vst v63  }
0x29: {  	s11 =	simm.s32 @!p0 $0x7  }
0x2a: {  	_ =	swait.ge @!p0 [sflag:s11], $0x2C00  }
0x2b: {  	[sflag:s11] =	ssyncset.done @!p0 $0x0  }
0x2c: {  	s16 =	rddreg [dreg:$0xa];
	[sflag:s11] =	ssyncadd.s32 @!p0 $0xFFFFD400;
	s11 =	simm.s32 @!p0 $0x0  }
0x2d: {  	[hbm4b:s16+s11] =	stream.linear.scatter @!p0 [tilespmem:s18], [sflag:$0x8], $0x2C00, $0x38;
	[tilespmem:$0x199F0] =	vst v63  }
0x2e: {  	_ =	swait.ge @!p0 [sflag:s15], $0x2C00  }
0x2f: {  	s10 =	sadd.s32 $0x1, s10;
	s23 =	rddreg [dreg:$0xb]  }
0x30: {  	p1 =	sne.s32 s10, s23  }
.Ltmp1:
0x31: {  	_ = 	snop;
	(pc) =	sbr.rel @!p1 .LBB2_10-.Ltmp1, $3  }
0x32: {  	_ =	sdelay $0x1  }
0x33: {  	[sflag:s15] =	ssyncset.done @!p0 $0x0  }
0x34: {  	[sflag:s15] =	ssyncadd.s32 @!p0 $0xFFFFD400  }
.LBB2_1:
0x35: {  	s11 =	simm.s32 $0x40;
	v1 =	vor.u32 s7, v0;
	s18 =	simm.s32 $0x0;
	s16 =	smov.u32 s7  }
.LBB2_2:
0x36: {  	p1 =	sne.s32 s11, $0x6180  }
0x37: {  	[tilespmem:s18+$0x2580] =	vst v1;
	s16 =	sadd.s32 $0x10, s16;
	s18 =	smov.u32 s11;
	s11 =	sadd.s32 $0x40, s11  }
.Ltmp2:
0x38: {  	(pc) =	sbr.rel @p1 .LBB2_2-.Ltmp2, $2  }
0x39: {  	_ =	sdelay $0x2  }
0x3a: {  	v1 =	vor.u32 s16, v0;
	s18 =	sshra.s32 s18, $0x2  }
0x3b: {  	[tilespmem:s18+$0x2580] =	vst v1;
	s11 =	rddreg [dreg:$0x6];
	s15 =	simm.s32 $0x2580  }
0x3c: {  	[spmem:s11] =	stream.linear.scatter [tilespmem:s15], [sflag:$0x8], $0x1870, $0x38;
	[tilespmem:$0x199F0] =	vst v63  }
0x3d: {  	_ =	swait.ge [sflag:s21], $0x1870  }
0x3e: {  	[sflag:s21] =	ssyncset.done $0x0  }
0x3f: {  	s11 =	simm.s32 $0x0;
	s16 =	rddreg [dreg:$0x7];
	[sflag:s21] =	ssyncadd.s32 $0xFFFFE790  }
0x40: {  	[tilespmem:s11], [sflag:$0x8] =	stream.linear.gather [hbm4b:s16+s11], $0xC38, $0x38;
	[tilespmem:$0x199F0] =	vst v63  }
0x41: {  	_ =	swait.ge [sflag:s21], $0xC38  }
0x42: {  	[sflag:s21] =	ssyncset.done $0x0  }
0x43: {  	s16 =	simm.s32 $0xC80;
	s18 =	rddreg [dreg:$0x8];
	[sflag:s21] =	ssyncadd.s32 $0xFFFFF3C8  }
0x44: {  	[tilespmem:s16], [sflag:$0x8] =	stream.linear.gather [hbm4b:s18+s11], $0xC38, $0x38;
	[tilespmem:$0x199F0] =	vst v63  }
0x45: {  	_ =	swait.ge [sflag:s21], $0xC38  }
0x46: {  	[sflag:s21] =	ssyncset.done $0x0  }
0x47: {  	[sflag:s21] =	ssyncadd.s32 $0xFFFFF3C8  }
0x48: {  	s22 =	simm.s32 $0xC38;
	s19 =	rddreg [dreg:$0x0]  }
0x49: {  	[tilespmem:s24], [sflag:$0x7] =	stream.indirect.gather [hbm4b:s19+s22], $0x1, s16, s22, $0xb8;
	[tilespmem:$0x199F0] =	vst v63  }
0x4a: {  	_ =	swait.ge [sflag:s25], $0xC38  }
0x4b: {  	[sflag:s25] =	ssyncset.done $0x0  }
0x4c: {  	[sflag:s25] =	ssyncadd.s32 $0xFFFFF3C8  }
0x4d: {  	[bflag:$0x0] =	sbarrier.arrive $0xFFFF  }
0x4e: {  	s23 =	rddreg [dreg:$0x4]  }
0x4f: {  	[spmem:s23] =	stream.indirect.scatter [tilespmem:s24], [sflag:$0x8], $0x1, s11, s22, $0xb8;
	[tilespmem:$0x199F0] =	vst v63  }
.Ltmp3:
0x50: {  	_ =	swait.ge [sflag:s21], $0xC38;
	(pc) =	sbr.rel .LBB2_4-.Ltmp3, $4  }
0x51: {  	[sflag:s21] =	ssyncset.done $0x0  }
0x52: {  	[sflag:s21] =	ssyncadd.s32 $0xFFFFF3C8  }
0x53: {  	[bflag:$0x0] =	sbarrier.arrive $0xFFFF  }
0x54: {  	s19 =	smov.u32 s14;
	s18 =	rddreg [dreg:$0xc]  }
.LBB2_7:
0x55: {  	s22 =	smul.u32 $0x2E0, s16;
	_ =	sdelay $0x1  }
0x56: {  	s22 =	sshra.s32 s22, $0x2  }
0x57: {  	s22 =	sadd.s32 s22, s13  }
0x58: {  	[tilespmem:s1], [sflag:$0x8] =	stream.linear.gather [spmem:s22], $0xB8, $0x38;
	[tilespmem:$0x199F0] =	vst v63  }
0x59: {  	_ =	swait.ge [sflag:s21], $0xB8  }
0x5a: {  	[sflag:s21] =	ssyncset.done $0x0  }
0x5b: {  	p2 =	por $0x1, $0x1;
	[sflag:s21] =	ssyncadd.s32 $0xFFFFFF48  }
0x5c: {  	[tilespmem:s4], [sflag:$0x2] =	stream.indirect.gather [hbm4b:s2+s29], $0x80, s1, s29, $0xb8;
	[tilespmem:$0x199F0] =	vst v63  }
.LBB2_8:
0x5d: {  	_ =	swait.ge [sflag:s20], $0x5C00  }
0x5e: {  	[sflag:s20] =	ssyncset.done $0x0  }
0x5f: {  	s22 =	sadd.s32 $0xB80, s19;
	[sflag:s20] =	ssyncadd.s32 $0xFFFFA400  }
0x60: {  	[hbm4b:s22+s6] =	stream.linear.scatter [tilespmem:s30], [sflag:$0x4], $0x5C00, $0x38;
	[tilespmem:$0x199F0] =	vst v63  }
0x61: {  	s22 =	sadd.s32 $0x2, s11  }
0x62: {  	p3 =	sge.u32 @!p1 s22, s12  }
0x63: {  	p1 =	por p3, p1  }
0x64: {  	s23 =	simm.s32 @!p1 $0x6  }
0x65: {  	_ =	swait.ge @!p1 [sflag:s23], $0x5C00  }
0x66: {  	p3 =	sge.u32 s22, s12;
	[sflag:s23] =	ssyncset.done @!p1 $0x0  }
0x67: {  	s22 =	sadd.s32 @!p3 $0x170, s18;
	[sflag:s23] =	ssyncadd.s32 @!p1 $0xFFFFA400;
	s23 =	simm.s32 @!p3 $0x5870  }
0x68: {  	[tilespmem:s23], [sflag:$0x8] =	stream.linear.gather @!p3 [spmem:s22], $0xB8, $0x38;
	[tilespmem:$0x199F0] =	vst v63  }
0x69: {  	s22 =	simm.s32 @!p3 $0x8  }
0x6a: {  	_ =	swait.ge @!p3 [sflag:s22], $0xB8  }
0x6b: {  	s11 =	sadd.s32 $0x3, s11;
	[sflag:s22] =	ssyncset.done @!p3 $0x0  }
0x6c: {  	s15 =	simm.s32 @!p3 $0x11170;
	[sflag:s22] =	ssyncadd.s32 @!p3 $0xFFFFFF48;
	s22 =	simm.s32 @!p3 $0xB8  }
0x6d: {  	[tilespmem:s15], [sflag:$0x3] =	stream.indirect.gather @!p3 [hbm4b:s2+s22], $0x80, s23, s22, $0xb8;
	[tilespmem:$0x199F0] =	vst v63  }
0x6e: {  	s16 =	smul.u32 @p2 $0xB8, s16;
	p1 =	sne.s32 s11, $0x12;
	s15 =	simm.s32 @p2 $0x2  }
.Ltmp4:
0x6f: {  	_ =	swait.ge @p2 [sflag:s15], $0x5C00;
	(pc) =	sbr.rel @!p1 .LBB2_9-.Ltmp4, $4  }
0x70: {  	s19 =	sadd.s32 $0x2280, s19;
	s16 =	sadd.s32 @p2 s9, s16;
	[sflag:s15] =	ssyncset.done @p2 $0x0  }
0x71: {  	s18 =	sadd.s32 $0x228, s18;
	[sflag:s15] =	ssyncadd.s32 @p2 $0xFFFFA400;
	s15 =	sshll.u32 @p2 s16, $0x4  }
0x72: {  	s22 =	simm.s32 @p2 $0xB570;
	s16 =	simm.s32 @p2 $0x0;
	s15 =	sadd.s32 @p2 s3, s15  }
0x73: {  	[hbm4b:s15+s16] =	stream.linear.scatter @p2 [tilespmem:s22], [sflag:$0x5], $0x5C00, $0x38;
	[tilespmem:$0x199F0] =	vst v63  }
.LBB2_4:
0x74: {  	p1 =	seq.s32 s11, $0x0  }
.Ltmp5:
0x75: {  	_ = 	snop;
	(pc) =	sbr.rel @p1 .LBB2_11-.Ltmp5, $1  }
0x76: {  	_ =	sdelay $0x3  }
0x77: {  	_ =	swait.ge [sflag:s26], $0x5C00  }
0x78: {  	[sflag:s26] =	ssyncset.done $0x0  }
0x79: {  	[sflag:s26] =	ssyncadd.s32 $0xFFFFA400  }
0x7a: {  	[tilespmem:s28], [sflag:$0x8] =	stream.linear.gather [spmem:s18], $0xB8, $0x38;
	[tilespmem:$0x199F0] =	vst v63  }
0x7b: {  	_ =	swait.ge [sflag:s21], $0xB8  }
0x7c: {  	s16 =	sadd.s32 $0x1, s11;
	[sflag:s21] =	ssyncset.done $0x0  }
0x7d: {  	p3 =	slt.u32 s16, s12;
	[sflag:s21] =	ssyncadd.s32 $0xFFFFFF48  }
0x7e: {  	[tilespmem:s30], [sflag:$0x1] =	stream.indirect.gather [hbm4b:s2+s29], $0x80, s28, s29, $0xb8;
	[tilespmem:$0x199F0] =	vst v63  }
.Ltmp6:
0x7f: {  	_ = 	snop;
	(pc) =	sbr.rel @!p3 .LBB2_8-.Ltmp6, $4  }
0x80: {  	_ =	swait.ge [sflag:s31], $0x5C00  }
0x81: {  	[sflag:s31] =	ssyncset.done $0x0  }
0x82: {  	p2 =	por $0x0, $0x0;
	[sflag:s31] =	ssyncadd.s32 $0xFFFFA400  }
0x83: {  	[hbm4b:s19+s6] =	stream.linear.scatter [tilespmem:s0], [sflag:$0x6], $0x5C00, $0x38;
	[tilespmem:$0x199F0] =	vst v63  }
.Ltmp7:
0x84: {  	(pc) =	sbr.rel .LBB2_7-.Ltmp7, $4  }
0x85: {  	_ = 	snop  }
0x86: {  	_ =	swait.ge [sflag:s5], $0x5C00  }
0x87: {  	[sflag:s5] =	ssyncset.done $0x0  }
0x88: {  	[sflag:s5] =	ssyncadd.s32 $0xFFFFA400  }
.LBB2_11:
0x89: {  	[tilespmem:s28], [sflag:$0x8] =	stream.linear.gather [spmem:s18], $0xB8, $0x38;
	[tilespmem:$0x199F0] =	vst v63  }
0x8a: {  	p3 =	slt.u32 s11, s17  }
.Ltmp8:
0x8b: {  	_ = 	snop;
	(pc) =	sbr.rel @p3 .LBB2_7-.Ltmp8, $4  }
.Ltmp9:
0x8c: {  	_ =	swait.ge [sflag:s21], $0xB8;
	(pc) =	sbr.rel @!p3 .LBB2_8-.Ltmp9, $4  }
0x8d: {  	[sflag:s21] =	ssyncset.done $0x0  }
0x8e: {  	p2 =	por $0x0, $0x0;
	s16 =	simm.s32 $0x1;
	[sflag:s21] =	ssyncadd.s32 $0xFFFFFF48  }
0x8f: {  	[tilespmem:s30], [sflag:$0x1] =	stream.indirect.gather [hbm4b:s2+s29], $0x80, s28, s29, $0xb8;
	[tilespmem:$0x199F0] =	vst v63  }
0x90: {  	_ = 	snop  }
.LBB2_10:
0x91: {  	_ =	sfence.sel $0x180000  }
0x92: {  	[bflag:$0x0] =	sbarrier.arrive $0xFFFF  }
0x93: {  	_ =	strace $0x90000047  }
0x94: {  	s0 =	stileid.u32;
	[bflag:$0x2] =	sbarrier.arrive $0xFFFF  }
0x95: {  	p0 =	sne.s32 s0, $0x0;
	s0 =	rddreg [dreg:$0x5]  }
0x96: {  	s0 =	sadd.s32 @!p0 $0x100000, s0  }
0x97: {  	[sflag:s0] =	ssyncadd.tile.s32 @!p0 $0x1;
	_ =	shalt  }
.Lfunc_end2:
_tile_overlayer_lowered:
.L_overlay_start_2:
0x98: {  	(tag) =	ssettag $0x2  }
0x99: {  	s0 =	rddreg [dreg:$0x0];
	s2 =	stileid.u32  }
0x9a: {  	s1 =	rddreg [dreg:$0x1];
	p0 =	sne.s32 s2, $0x0  }
0x9b: {  	s3 =	rddreg [dreg:$0x2];
	[bflag:$0x3] =	sbarrier.arrive $0xFFFF;
	s2 =	simm.s32 @!p0 $0x1C08  }
0x9c: {  	[timem:s3], [sflag:s2] =	dma.local @!p0 [hbm:s0], s1  }
0x9d: {  	s0 =	simm.s32 @!p0 $0x8  }
0x9e: {  	_ =	swait.ge @!p0 [sflag:s0], s1  }
0x9f: {  	s1 =	ssub.s32 @!p0 $0x0, s1;
	[sflag:s0] =	ssyncset.done @!p0 $0x0  }
0xa0: {  	[sflag:s0] =	ssyncadd.s32 @!p0 s1  }
0xa1: {  	[bflag:$0x3] =	sbarrier.arrive $0xFFFF  }
0xa2: {  	_ =	shalt  }

</sc_bundles>
